<compile_context>
chip_gen: v7x
topology: tpu7x:2x2x1
jax: 0.10.2.dev20260603
libtpu: 0.0.44.dev20260713+nightly
codegen_flags: <defaults>
</compile_context>

<pallas_src>
import functools

import jax
import jax.numpy as jnp
from jax import lax
from jax.experimental import pallas as pl
from jax.experimental.pallas import tpu as pltpu
from jax.experimental.pallas import tpu_sc as plsc

D = 64
NUM_PAIRS_POS = 131072
TOTAL_PAIRS = 2 * NUM_PAIRS_POS
NC = 2
NS = 16
NW = NC * NS
CHUNK = 128
PAIRS_PER_W = TOTAL_PAIRS // NW
NCHUNKS = PAIRS_PER_W // CHUNK
BLK = 8192
NBLK = TOTAL_PAIRS // BLK
POS_BLKS = NUM_PAIRS_POS // BLK

_sc_mesh = plsc.VectorSubcoreMesh(core_axis_name="c", subcore_axis_name="s")


DPAD = 128


@functools.partial(
    pl.kernel,
    out_type=[
        jax.ShapeDtypeStruct((TOTAL_PAIRS, DPAD), jnp.float32),
        jax.ShapeDtypeStruct((TOTAL_PAIRS, DPAD), jnp.float32),
    ],
    mesh=_sc_mesh,
    scratch_types=[
        pltpu.VMEM((NCHUNKS, CHUNK), jnp.int32),
        pltpu.VMEM((NCHUNKS, CHUNK), jnp.int32),
        pltpu.VMEM((CHUNK, DPAD), jnp.float32),
        pltpu.VMEM((CHUNK, DPAD), jnp.float32),
        pltpu.SemaphoreType.DMA,
        pltpu.SemaphoreType.DMA,
    ],
)
def _sc_gather(emb, idxa, idxb, out_a, out_b, ia_v, ib_v, ba_v, bb_v,
               sem_a, sem_b):
    cid = lax.axis_index("c")
    sid = lax.axis_index("s")
    wid = sid * NC + cid

    row0 = wid * NCHUNKS
    pltpu.sync_copy(idxa.at[pl.ds(row0, NCHUNKS)], ia_v)
    pltpu.sync_copy(idxb.at[pl.ds(row0, NCHUNKS)], ib_v)
    pair0 = wid * PAIRS_PER_W

    def body(ci, carry):
        ca = pltpu.async_copy(emb.at[ia_v.at[ci]], ba_v, sem_a)
        cb = pltpu.async_copy(emb.at[ib_v.at[ci]], bb_v, sem_b)
        ca.wait()
        cb.wait()
        dst = pair0 + ci * CHUNK
        wa = pltpu.async_copy(ba_v, out_a.at[pl.ds(dst, CHUNK)], sem_a)
        wb = pltpu.async_copy(bb_v, out_b.at[pl.ds(dst, CHUNK)], sem_b)
        wa.wait()
        wb.wait()
        return carry

    lax.fori_loop(0, NCHUNKS, body, 0)


def _tc_loss_body(scale_ref, ga_ref, gb_ref, out_ref, acc_ref):
    i = pl.program_id(0)

    @pl.when(i == 0)
    def _init():
        acc_ref[0] = 0.0
        acc_ref[1] = 0.0

    a = ga_ref[...]
    b = gb_ref[...]
    dot = jnp.sum(a * b, axis=1)
    na = jnp.sum(a * a, axis=1)
    nb = jnp.sum(b * b, axis=1)
    y = dot * lax.rsqrt(na * nb) * scale_ref[0]
    acc_ref[0] += jnp.sum(jnp.exp(y))

    @pl.when(i < POS_BLKS)
    def _pos():
        acc_ref[1] += jnp.sum(y)

    @pl.when(i == NBLK - 1)
    def _fin():
        loss = (jnp.float32(NUM_PAIRS_POS) * jnp.log(acc_ref[0])
                - acc_ref[1])
        out_ref[...] = jnp.broadcast_to(loss, (1, 1))


_tc_loss = pl.pallas_call(
    _tc_loss_body,
    grid=(NBLK,),
    in_specs=[
        pl.BlockSpec(memory_space=pltpu.SMEM),
        pl.BlockSpec((BLK, DPAD), lambda i: (i, 0)),
        pl.BlockSpec((BLK, DPAD), lambda i: (i, 0)),
    ],
    out_specs=pl.BlockSpec((1, 1), lambda i: (0, 0)),
    out_shape=jax.ShapeDtypeStruct((1, 1), jnp.float32),
    scratch_shapes=[pltpu.SMEM((2,), jnp.float32)],
)


def kernel(embeddings, scale, labels, anc1_indices, pos_indices,
           anc2_indices, neg_indices):
    del labels
    idx_a = jnp.concatenate([anc1_indices, anc2_indices]).astype(jnp.int32)
    idx_b = jnp.concatenate([pos_indices, neg_indices]).astype(jnp.int32)
    idx_a = idx_a.reshape(TOTAL_PAIRS // CHUNK, CHUNK)
    idx_b = idx_b.reshape(TOTAL_PAIRS // CHUNK, CHUNK)
    emb_pad = jnp.pad(embeddings, ((0, 0), (0, DPAD - D)))
    ga, gb = _sc_gather(emb_pad, idx_a, idx_b)
    loss = _tc_loss(scale.astype(jnp.float32), ga, gb)
    return loss[0, 0]

# --- scband reference (transcript-rebuilt; emitter-appended) ---
"""Pipeline reference for scband-pair-cross-entropy-15710990369170 (READ-ONLY COPY).

The authoritative reference and input builder live on the scoring server;
editing this copy changes nothing except your own understanding.
"""

import jax, jax.numpy as jnp
import numpy as np

N_EMB = 1000000
D = 64
P = 131072


def setup_inputs(seed: int = 0) -> dict:
    key = jax.random.key(seed)
    k1, k2, k3, k4, k5, k6 = jax.random.split(key, 6)
    embeddings = jax.random.normal(k1, (N_EMB, D), dtype=jnp.float32)
    labels = jax.random.randint(k2, (P,), 0, 2, dtype=jnp.int64)
    anc1_indices = jax.random.randint(k3, (P,), 0, N_EMB, dtype=jnp.int64)
    pos_indices = jax.random.randint(k4, (P,), 0, N_EMB, dtype=jnp.int64)
    anc2_indices = jax.random.randint(k5, (P,), 0, N_EMB, dtype=jnp.int64)
    neg_indices = jax.random.randint(k6, (P,), 0, N_EMB, dtype=jnp.int64)
    scale = jnp.ones((1,), dtype=jnp.float32)  # learned nn.Parameter
    return {
        "embeddings": embeddings,
        "scale": scale,
        "labels": labels,
        "anc1_indices": anc1_indices,
        "pos_indices": pos_indices,
        "anc2_indices": anc2_indices,
        "neg_indices": neg_indices,
    }


def reference(embeddings, scale, labels, anc1_indices, pos_indices, anc2_indices, neg_indices):
    normalize = True
    # positive pairs
    e_a1 = jnp.take(embeddings, anc1_indices, axis=0)
    e_p = jnp.take(embeddings, pos_indices, axis=0)
    logits_pos = jnp.sum(e_a1 * e_p * scale, axis=1)
    if normalize:
        logits_pos = logits_pos / (jnp.linalg.norm(e_a1, ord=2, axis=1) * jnp.linalg.norm(e_p, ord=2, axis=1))
    # negative pairs
    e_a2 = jnp.take(embeddings, anc2_indices, axis=0)
    e_n = jnp.take(embeddings, neg_indices, axis=0)
    logits_neg = jnp.sum(e_a2 * e_n * scale, axis=1)
    if normalize:
        logits_neg = logits_neg / (jnp.linalg.norm(e_a2, ord=2, axis=1) * jnp.linalg.norm(e_n, ord=2, axis=1))
    logits = jnp.concatenate([logits_pos, logits_neg], axis=0)
    tgt = jnp.concatenate([
        jnp.ones((logits_pos.shape[0],), dtype=jnp.float32),
        jnp.zeros((logits_neg.shape[0],), dtype=jnp.float32),
    ], axis=0)
    # torch CrossEntropyLoss with unbatched 1-D input (C,) and float prob target (C,):
    # loss = -sum(target * log_softmax(input))
    log_sm = jax.nn.log_softmax(logits, axis=0)
    loss = -jnp.sum(tgt * log_sm)
    return loss

if __name__ == "__main__":
    import jax
    _d = setup_inputs()
    print(jax.jit(kernel)(*tuple(_d.values())))

</pallas_src>

<mosaic_0001>
#map = affine_map<(d0, d1) -> (0, 0)>
module attributes {stable_mosaic.version = 14 : i64} {
  func.func @_sc_gather(%arg0: i32, %arg1: i32, %arg2: memref<1000000x128xf32, #tpu.memory_space<hbm>>, %arg3: memref<2048x128xi32, #tpu.memory_space<hbm>>, %arg4: memref<2048x128xi32, #tpu.memory_space<hbm>>, %arg5: memref<262144x128xf32, #tpu.memory_space<hbm>>, %arg6: memref<262144x128xf32, #tpu.memory_space<hbm>>, %arg7: memref<64x128xi32, #tpu.memory_space<vmem>>, %arg8: memref<64x128xi32, #tpu.memory_space<vmem>>, %arg9: memref<128x128xf32, #tpu.memory_space<vmem>>, %arg10: memref<128x128xf32, #tpu.memory_space<vmem>>, %arg11: memref<!tpu.dma_semaphore, #tpu.memory_space<semaphore_mem>>, %arg12: memref<!tpu.dma_semaphore, #tpu.memory_space<semaphore_mem>>) attributes {dimension_semantics = [#tpu.dimension_semantics<core_parallel>, #tpu.dimension_semantics<subcore_parallel>], iteration_bounds = array<i64: 2, 16>, scalar_prefetch = 0 : i64, scratch_operands = 6 : i64, tpu.core_type = #tpu.core_type<sc_vector_subcore>, window_params = [{transform_indices = #map}, {transform_indices = #map}, {transform_indices = #map}, {transform_indices = #map}, {transform_indices = #map}]} {
    %mul3A = arith.constant 2 : i32
    %mul3A_0 = arith.muli %arg1, %mul3A : i32
    %add3A = arith.addi %mul3A_0, %arg0 : i32
    %mul3A_1 = arith.constant 64 : i32
    %mul3A_2 = arith.muli %add3A, %mul3A_1 : i32
    "tpu.region"() ({
      %run_scoped3A = tpu.sem_alloc : memref<!tpu.dma_semaphore, #tpu.memory_space<semaphore_mem>>
      %dma_start3A = arith.constant 0 : i32
      %dma_start3A_10 = tpu.memref_slice %arg3[%mul3A_2, %dma_start3A] : memref<2048x128xi32, #tpu.memory_space<hbm>> -> memref<64x128xi32, #tpu.memory_space<hbm>>
      %dma_start3A_11 = arith.constant 0 : i32
      %dma_start3A_12 = tpu.memref_slice %arg3[%mul3A_2, %dma_start3A_11] : memref<2048x128xi32, #tpu.memory_space<hbm>> -> memref<64x128xi32, #tpu.memory_space<hbm>>
      tpu.enqueue_dma source(%dma_start3A_12 : memref<64x128xi32, #tpu.memory_space<hbm>>) target(%arg7 : memref<64x128xi32, #tpu.memory_space<vmem>>) target_semaphore(%run_scoped3A : memref<!tpu.dma_semaphore, #tpu.memory_space<semaphore_mem>>)
      %dma_wait3A = arith.constant 0 : i32
      %dma_wait3A_13 = tpu.memref_slice %arg3[%mul3A_2, %dma_wait3A] : memref<2048x128xi32, #tpu.memory_space<hbm>> -> memref<64x128xi32, #tpu.memory_space<hbm>>
      %dma_wait3A_14 = arith.constant 0 : i32
      %dma_wait3A_15 = tpu.memref_slice %arg3[%mul3A_2, %dma_wait3A_14] : memref<2048x128xi32, #tpu.memory_space<hbm>> -> memref<64x128xi32, #tpu.memory_space<hbm>>
      tpu.wait_dma2 semaphore(%run_scoped3A : memref<!tpu.dma_semaphore, #tpu.memory_space<semaphore_mem>>) src(%dma_wait3A_15 : memref<64x128xi32, #tpu.memory_space<hbm>>) dst(%arg7 : memref<64x128xi32, #tpu.memory_space<vmem>>)
      tpu.yield
    }) : () -> ()
    "tpu.region"() ({
      %run_scoped3A = tpu.sem_alloc : memref<!tpu.dma_semaphore, #tpu.memory_space<semaphore_mem>>
      %dma_start3A = arith.constant 0 : i32
      %dma_start3A_10 = tpu.memref_slice %arg4[%mul3A_2, %dma_start3A] : memref<2048x128xi32, #tpu.memory_space<hbm>> -> memref<64x128xi32, #tpu.memory_space<hbm>>
      %dma_start3A_11 = arith.constant 0 : i32
      %dma_start3A_12 = tpu.memref_slice %arg4[%mul3A_2, %dma_start3A_11] : memref<2048x128xi32, #tpu.memory_space<hbm>> -> memref<64x128xi32, #tpu.memory_space<hbm>>
      tpu.enqueue_dma source(%dma_start3A_12 : memref<64x128xi32, #tpu.memory_space<hbm>>) target(%arg8 : memref<64x128xi32, #tpu.memory_space<vmem>>) target_semaphore(%run_scoped3A : memref<!tpu.dma_semaphore, #tpu.memory_space<semaphore_mem>>)
      %dma_wait3A = arith.constant 0 : i32
      %dma_wait3A_13 = tpu.memref_slice %arg4[%mul3A_2, %dma_wait3A] : memref<2048x128xi32, #tpu.memory_space<hbm>> -> memref<64x128xi32, #tpu.memory_space<hbm>>
      %dma_wait3A_14 = arith.constant 0 : i32
      %dma_wait3A_15 = tpu.memref_slice %arg4[%mul3A_2, %dma_wait3A_14] : memref<2048x128xi32, #tpu.memory_space<hbm>> -> memref<64x128xi32, #tpu.memory_space<hbm>>
      tpu.wait_dma2 semaphore(%run_scoped3A : memref<!tpu.dma_semaphore, #tpu.memory_space<semaphore_mem>>) src(%dma_wait3A_15 : memref<64x128xi32, #tpu.memory_space<hbm>>) dst(%arg8 : memref<64x128xi32, #tpu.memory_space<vmem>>)
      tpu.yield
    }) : () -> ()
    %mul3A_3 = arith.constant 8192 : i32
    %mul3A_4 = arith.muli %add3A, %mul3A_3 : i32
    %scan3A = arith.constant 0 : i32
    %scan3A_5 = arith.constant 0 : i32
    %scan3A_6 = arith.constant 64 : i32
    %scan3A_7 = arith.addi %scan3A_5, %scan3A_6 : i32
    %scan3A_8 = arith.constant 1 : i32
    scf.for %scan3A_10 = %scan3A_5 to %scan3A_7 step %scan3A_8  : i32 {
      %dma_start3A = arith.constant 0 : i32
      %dma_start3A_11 = tpu.memref_slice %arg7[%scan3A_10, %dma_start3A] : memref<64x128xi32, #tpu.memory_space<vmem>> -> memref<1x128xi32, #tpu.memory_space<vmem>>
      %dma_start3A_12 = tpu.memref_squeeze %dma_start3A_11 : memref<1x128xi32, #tpu.memory_space<vmem>> -> memref<128xi32, #tpu.memory_space<vmem>>
      %dma_start3A_13 = arith.constant 0 : i32
      %dma_start3A_14 = arith.constant 0 : i32
      %dma_start3A_15 = tpu.memref_slice %arg2[%dma_start3A_13, %dma_start3A_14] : memref<1000000x128xf32, #tpu.memory_space<hbm>> -> memref<1000000x128xf32, #tpu.memory_space<hbm>>
      tpu.enqueue_indirect_dma source(%dma_start3A_15 : memref<1000000x128xf32, #tpu.memory_space<hbm>>) target(%arg9 : memref<128x128xf32, #tpu.memory_space<vmem>>) offsets(%dma_start3A_12 : memref<128xi32, #tpu.memory_space<vmem>>) semaphore(%arg11 : memref<!tpu.dma_semaphore, #tpu.memory_space<semaphore_mem>>)
      %dma_start3A_16 = arith.constant 0 : i32
      %dma_start3A_17 = tpu.memref_slice %arg8[%scan3A_10, %dma_start3A_16] : memref<64x128xi32, #tpu.memory_space<vmem>> -> memref<1x128xi32, #tpu.memory_space<vmem>>
      %dma_start3A_18 = tpu.memref_squeeze %dma_start3A_17 : memref<1x128xi32, #tpu.memory_space<vmem>> -> memref<128xi32, #tpu.memory_space<vmem>>
      %dma_start3A_19 = arith.constant 0 : i32
      %dma_start3A_20 = arith.constant 0 : i32
      %dma_start3A_21 = tpu.memref_slice %arg2[%dma_start3A_19, %dma_start3A_20] : memref<1000000x128xf32, #tpu.memory_space<hbm>> -> memref<1000000x128xf32, #tpu.memory_space<hbm>>
      tpu.enqueue_indirect_dma source(%dma_start3A_21 : memref<1000000x128xf32, #tpu.memory_space<hbm>>) target(%arg10 : memref<128x128xf32, #tpu.memory_space<vmem>>) offsets(%dma_start3A_18 : memref<128xi32, #tpu.memory_space<vmem>>) semaphore(%arg12 : memref<!tpu.dma_semaphore, #tpu.memory_space<semaphore_mem>>)
      %dma_wait3A = arith.constant 0 : i32
      %dma_wait3A_22 = tpu.memref_slice %arg7[%scan3A_10, %dma_wait3A] : memref<64x128xi32, #tpu.memory_space<vmem>> -> memref<1x128xi32, #tpu.memory_space<vmem>>
      %dma_wait3A_23 = tpu.memref_squeeze %dma_wait3A_22 : memref<1x128xi32, #tpu.memory_space<vmem>> -> memref<128xi32, #tpu.memory_space<vmem>>
      %dma_wait3A_24 = arith.constant 0 : i32
      %dma_wait3A_25 = arith.constant 0 : i32
      %dma_wait3A_26 = tpu.memref_slice %arg2[%dma_wait3A_24, %dma_wait3A_25] : memref<1000000x128xf32, #tpu.memory_space<hbm>> -> memref<1000000x128xf32, #tpu.memory_space<hbm>>
      tpu.wait_indirect_dma semaphore(%arg11 : memref<!tpu.dma_semaphore, #tpu.memory_space<semaphore_mem>>) src(%dma_wait3A_26 : memref<1000000x128xf32, #tpu.memory_space<hbm>>) dst(%arg9 : memref<128x128xf32, #tpu.memory_space<vmem>>)
      %dma_wait3A_27 = arith.constant 0 : i32
      %dma_wait3A_28 = tpu.memref_slice %arg8[%scan3A_10, %dma_wait3A_27] : memref<64x128xi32, #tpu.memory_space<vmem>> -> memref<1x128xi32, #tpu.memory_space<vmem>>
      %dma_wait3A_29 = tpu.memref_squeeze %dma_wait3A_28 : memref<1x128xi32, #tpu.memory_space<vmem>> -> memref<128xi32, #tpu.memory_space<vmem>>
      %dma_wait3A_30 = arith.constant 0 : i32
      %dma_wait3A_31 = arith.constant 0 : i32
      %dma_wait3A_32 = tpu.memref_slice %arg2[%dma_wait3A_30, %dma_wait3A_31] : memref<1000000x128xf32, #tpu.memory_space<hbm>> -> memref<1000000x128xf32, #tpu.memory_space<hbm>>
      tpu.wait_indirect_dma semaphore(%arg12 : memref<!tpu.dma_semaphore, #tpu.memory_space<semaphore_mem>>) src(%dma_wait3A_32 : memref<1000000x128xf32, #tpu.memory_space<hbm>>) dst(%arg10 : memref<128x128xf32, #tpu.memory_space<vmem>>)
      %mul3A_33 = arith.constant 128 : i32
      %mul3A_34 = arith.muli %scan3A_10, %mul3A_33 : i32
      %add3A_35 = arith.addi %mul3A_4, %mul3A_34 : i32
      %dma_start3A_36 = arith.constant 0 : i32
      %dma_start3A_37 = tpu.memref_slice %arg5[%add3A_35, %dma_start3A_36] : memref<262144x128xf32, #tpu.memory_space<hbm>> -> memref<128x128xf32, #tpu.memory_space<hbm>>
      %dma_start3A_38 = arith.constant 0 : i32
      %dma_start3A_39 = tpu.memref_slice %arg5[%add3A_35, %dma_start3A_38] : memref<262144x128xf32, #tpu.memory_space<hbm>> -> memref<128x128xf32, #tpu.memory_space<hbm>>
      tpu.enqueue_dma source(%arg9 : memref<128x128xf32, #tpu.memory_space<vmem>>) target(%dma_start3A_39 : memref<128x128xf32, #tpu.memory_space<hbm>>) target_semaphore(%arg11 : memref<!tpu.dma_semaphore, #tpu.memory_space<semaphore_mem>>)
      %dma_start3A_40 = arith.constant 0 : i32
      %dma_start3A_41 = tpu.memref_slice %arg6[%add3A_35, %dma_start3A_40] : memref<262144x128xf32, #tpu.memory_space<hbm>> -> memref<128x128xf32, #tpu.memory_space<hbm>>
      %dma_start3A_42 = arith.constant 0 : i32
      %dma_start3A_43 = tpu.memref_slice %arg6[%add3A_35, %dma_start3A_42] : memref<262144x128xf32, #tpu.memory_space<hbm>> -> memref<128x128xf32, #tpu.memory_space<hbm>>
      tpu.enqueue_dma source(%arg10 : memref<128x128xf32, #tpu.memory_space<vmem>>) target(%dma_start3A_43 : memref<128x128xf32, #tpu.memory_space<hbm>>) target_semaphore(%arg12 : memref<!tpu.dma_semaphore, #tpu.memory_space<semaphore_mem>>)
      %dma_wait3A_44 = arith.constant 0 : i32
      %dma_wait3A_45 = tpu.memref_slice %arg5[%add3A_35, %dma_wait3A_44] : memref<262144x128xf32, #tpu.memory_space<hbm>> -> memref<128x128xf32, #tpu.memory_space<hbm>>
      %dma_wait3A_46 = arith.constant 0 : i32
      %dma_wait3A_47 = tpu.memref_slice %arg5[%add3A_35, %dma_wait3A_46] : memref<262144x128xf32, #tpu.memory_space<hbm>> -> memref<128x128xf32, #tpu.memory_space<hbm>>
      tpu.wait_dma2 semaphore(%arg11 : memref<!tpu.dma_semaphore, #tpu.memory_space<semaphore_mem>>) src(%arg9 : memref<128x128xf32, #tpu.memory_space<vmem>>) dst(%dma_wait3A_47 : memref<128x128xf32, #tpu.memory_space<hbm>>)
      %dma_wait3A_48 = arith.constant 0 : i32
      %dma_wait3A_49 = tpu.memref_slice %arg6[%add3A_35, %dma_wait3A_48] : memref<262144x128xf32, #tpu.memory_space<hbm>> -> memref<128x128xf32, #tpu.memory_space<hbm>>
      %dma_wait3A_50 = arith.constant 0 : i32
      %dma_wait3A_51 = tpu.memref_slice %arg6[%add3A_35, %dma_wait3A_50] : memref<262144x128xf32, #tpu.memory_space<hbm>> -> memref<128x128xf32, #tpu.memory_space<hbm>>
      tpu.wait_dma2 semaphore(%arg12 : memref<!tpu.dma_semaphore, #tpu.memory_space<semaphore_mem>>) src(%arg10 : memref<128x128xf32, #tpu.memory_space<vmem>>) dst(%dma_wait3A_51 : memref<128x128xf32, #tpu.memory_space<hbm>>)
    }
    %scan3A_9 = arith.constant 64 : i32
    return
  }
}

module attributes {stable_mosaic.version = 14 : i64} {
  func.func @_tc_loss_body(%arg0: i32, %arg1: memref<1xf32, #tpu.memory_space<smem>>, %arg2: memref<8192x128xf32, #tpu.memory_space<vmem>>, %arg3: memref<8192x128xf32, #tpu.memory_space<vmem>>, %arg4: memref<1x1xf32, #tpu.memory_space<vmem>>, %arg5: memref<2xf32, #tpu.memory_space<smem>>) attributes {dimension_semantics = [#tpu.dimension_semantics<arbitrary>], iteration_bounds = array<i64: 32>, scalar_prefetch = 0 : i64, scratch_operands = 1 : i64, tpu.core_type = #tpu.core_type<tc>, window_params = [{transform_indices = @transform_0, window_bounds = array<i64: 1>}, {transform_indices = @transform_1, window_bounds = array<i64: 8192, 128>}, {transform_indices = @transform_2, window_bounds = array<i64: 8192, 128>}, {pipeline_mode = #tpu.pipeline_mode<synchronous>, transform_indices = @transform_3, window_bounds = array<i64: 1, 1>}]} {
    %eq3A = arith.constant 0 : i32
    %eq3A_0 = arith.cmpi eq, %arg0, %eq3A : i32
    %convert_element_type3A = arith.extui %eq3A_0 : i1 to i32
    %cond3A = arith.constant 0 : i32
    %cond3A_1 = arith.cmpi ne, %convert_element_type3A, %cond3A : i32
    scf.if %cond3A_1 {
      %swap3A_37 = arith.constant 0.000000e+00 : f32
      %swap3A_38 = arith.constant 0 : index
      %swap3A_39 = memref.load %arg5[%swap3A_38] : memref<2xf32, #tpu.memory_space<smem>>
      memref.store %swap3A_37, %arg5[%swap3A_38] : memref<2xf32, #tpu.memory_space<smem>>
      %swap3A_40 = arith.constant 0.000000e+00 : f32
      %swap3A_41 = arith.constant 1 : index
      %swap3A_42 = memref.load %arg5[%swap3A_41] : memref<2xf32, #tpu.memory_space<smem>>
      memref.store %swap3A_40, %arg5[%swap3A_41] : memref<2xf32, #tpu.memory_space<smem>>
    } else {
    }
    %get3A = arith.constant 0 : index
    %get3A_2 = arith.constant 0 : index
    %get3A_3 = vector.load %arg2[%get3A, %get3A_2] : memref<8192x128xf32, #tpu.memory_space<vmem>>, vector<8192x128xf32>
    %get3A_4 = arith.constant 0 : index
    %get3A_5 = arith.constant 0 : index
    %get3A_6 = vector.load %arg3[%get3A_4, %get3A_5] : memref<8192x128xf32, #tpu.memory_space<vmem>>, vector<8192x128xf32>
    %mul3A = arith.mulf %get3A_3, %get3A_6 : vector<8192x128xf32>
    %reduce_sum3A = arith.constant dense<0.000000e+00> : vector<8192xf32>
    %reduce_sum3A_7 = vector.multi_reduction <add>, %mul3A, %reduce_sum3A [1] : vector<8192x128xf32> to vector<8192xf32>
    %mul3A_8 = arith.mulf %get3A_3, %get3A_3 : vector<8192x128xf32>
    %reduce_sum3A_9 = arith.constant dense<0.000000e+00> : vector<8192xf32>
    %reduce_sum3A_10 = vector.multi_reduction <add>, %mul3A_8, %reduce_sum3A_9 [1] : vector<8192x128xf32> to vector<8192xf32>
    %mul3A_11 = arith.mulf %get3A_6, %get3A_6 : vector<8192x128xf32>
    %reduce_sum3A_12 = arith.constant dense<0.000000e+00> : vector<8192xf32>
    %reduce_sum3A_13 = vector.multi_reduction <add>, %mul3A_11, %reduce_sum3A_12 [1] : vector<8192x128xf32> to vector<8192xf32>
    %mul3A_14 = arith.mulf %reduce_sum3A_10, %reduce_sum3A_13 : vector<8192xf32>
    %rsqrt3A = math.rsqrt %mul3A_14 : vector<8192xf32>
    %mul3A_15 = arith.mulf %reduce_sum3A_7, %rsqrt3A : vector<8192xf32>
    %get3A_16 = arith.constant 0 : index
    %get3A_17 = memref.load %arg1[%get3A_16] : memref<1xf32, #tpu.memory_space<smem>>
    %mul3A_18 = vector.broadcast %get3A_17 : f32 to vector<8192xf32>
    %mul3A_19 = arith.mulf %mul3A_15, %mul3A_18 : vector<8192xf32>
    %get3A_20 = arith.constant 0 : index
    %get3A_21 = memref.load %arg5[%get3A_20] : memref<2xf32, #tpu.memory_space<smem>>
    %exp3A = math.exp %mul3A_19 : vector<8192xf32>
    %reduce_sum3A_22 = vector.shape_cast %exp3A : vector<8192xf32> to vector<1x8192xf32>
    %reduce_sum3A_23 = arith.constant dense<0.000000e+00> : vector<1xf32>
    %reduce_sum3A_24 = vector.multi_reduction <add>, %reduce_sum3A_22, %reduce_sum3A_23 [1] : vector<1x8192xf32> to vector<1xf32>
    %reduce_sum3A_25 = vector.shape_cast %reduce_sum3A_24 : vector<1xf32> to vector<1x1xf32>
    %reduce_sum3A_26 = vector.extract %reduce_sum3A_25[0, 0] : f32 from vector<1x1xf32>
    %add3A = arith.addf %get3A_21, %reduce_sum3A_26 : f32
    %swap3A = arith.constant 0 : index
    %swap3A_27 = memref.load %arg5[%swap3A] : memref<2xf32, #tpu.memory_space<smem>>
    memref.store %add3A, %arg5[%swap3A] : memref<2xf32, #tpu.memory_space<smem>>
    %lt3A = arith.constant 16 : i32
    %lt3A_28 = arith.cmpi slt, %arg0, %lt3A : i32
    %convert_element_type3A_29 = arith.extui %lt3A_28 : i1 to i32
    %cond3A_30 = arith.constant 0 : i32
    %cond3A_31 = arith.cmpi ne, %convert_element_type3A_29, %cond3A_30 : i32
    scf.if %cond3A_31 {
      %get3A_37 = arith.constant 1 : index
      %get3A_38 = memref.load %arg5[%get3A_37] : memref<2xf32, #tpu.memory_space<smem>>
      %reduce_sum3A_39 = vector.shape_cast %mul3A_19 : vector<8192xf32> to vector<1x8192xf32>
      %reduce_sum3A_40 = arith.constant dense<0.000000e+00> : vector<1xf32>
      %reduce_sum3A_41 = vector.multi_reduction <add>, %reduce_sum3A_39, %reduce_sum3A_40 [1] : vector<1x8192xf32> to vector<1xf32>
      %reduce_sum3A_42 = vector.shape_cast %reduce_sum3A_41 : vector<1xf32> to vector<1x1xf32>
      %reduce_sum3A_43 = vector.extract %reduce_sum3A_42[0, 0] : f32 from vector<1x1xf32>
      %add3A_44 = arith.addf %get3A_38, %reduce_sum3A_43 : f32
      %swap3A_45 = arith.constant 1 : index
      %swap3A_46 = memref.load %arg5[%swap3A_45] : memref<2xf32, #tpu.memory_space<smem>>
      memref.store %add3A_44, %arg5[%swap3A_45] : memref<2xf32, #tpu.memory_space<smem>>
    } else {
    }
    %eq3A_32 = arith.constant 31 : i32
    %eq3A_33 = arith.cmpi eq, %arg0, %eq3A_32 : i32
    %convert_element_type3A_34 = arith.extui %eq3A_33 : i1 to i32
    %cond3A_35 = arith.constant 0 : i32
    %cond3A_36 = arith.cmpi ne, %convert_element_type3A_34, %cond3A_35 : i32
    scf.if %cond3A_36 {
      %get3A_37 = arith.constant 0 : index
      %get3A_38 = memref.load %arg5[%get3A_37] : memref<2xf32, #tpu.memory_space<smem>>
      %log3A = math.log %get3A_38 : f32
      %mul3A_39 = arith.constant 1.310720e+05 : f32
      %mul3A_40 = arith.mulf %mul3A_39, %log3A : f32
      %get3A_41 = arith.constant 1 : index
      %get3A_42 = memref.load %arg5[%get3A_41] : memref<2xf32, #tpu.memory_space<smem>>
      %sub3A = arith.subf %mul3A_40, %get3A_42 : f32
      %broadcast_in_dim3A = vector.broadcast %sub3A : f32 to vector<1x1xf32>
      %swap3A_43 = arith.constant 0 : index
      %swap3A_44 = arith.constant 0 : index
      %swap3A_45 = vector.load %arg4[%swap3A_43, %swap3A_44] : memref<1x1xf32, #tpu.memory_space<vmem>>, vector<1x1xf32>
      tpu.vector_store %arg4[%swap3A_43, %swap3A_44], %broadcast_in_dim3A {strides = array<i32>} : memref<1x1xf32, #tpu.memory_space<vmem>>, vector<1x1xf32>,
    } else {
    }
    return
  }
  func.func @transform_0(%arg0: i32) -> i32 {
    %c0_i32 = arith.constant 0 : i32
    %c0_i32_0 = arith.constant 0 : i32
    return %c0_i32 : i32
  }
  func.func @transform_1(%arg0: i32) -> (i32, i32) {
    %c0_i32 = arith.constant 0 : i32
    %c0_i32_0 = arith.constant 0 : i32
    return %arg0, %c0_i32 : i32, i32
  }
  func.func @transform_2(%arg0: i32) -> (i32, i32) {
    %c0_i32 = arith.constant 0 : i32
    %c0_i32_0 = arith.constant 0 : i32
    return %arg0, %c0_i32 : i32, i32
  }
  func.func @transform_3(%arg0: i32) -> (i32, i32) {
    %c0_i32 = arith.constant 0 : i32
    %c0_i32_0 = arith.constant 0 : i32
    %c0_i32_1 = arith.constant 0 : i32
    return %c0_i32, %c0_i32_0 : i32, i32
  }
}

</mosaic_0001>

<sc_bundles>
// kernel: kernel.4.cloned.1.call-start
scs
__scs_entry_jumppad:
0x0: {  	(pc) =	sbr.rel $0x88, $3  }
0x1: {  	(tag) =	ssettag $0x0;
	lr =	simm.s32 $0x1  }
0x2: {  	[smem:$0x3F9B] =	sst lr;
	_ =	strace $0xD0000000  }
0x3: {  	_ = 	snop  }
0x4: {  	_ = 	snop  }
0x5: {  	_ = 	snop  }
0x6: {  	_ = 	snop  }
0x7: {  	_ = 	snop  }
__scs_overlays_trampoline_lowered:
0x8: {  	[smem:$0x3FAA] =	sst s0  }
0x9: {  	[smem:$0x3FAB] =	sst s1  }
0xa: {  	[smem:$0x3FAC] =	sst s2  }
0xb: {  	[smem:$0x3FAD] =	sst s3  }
0xc: {  	[smem:$0x3FAE] =	sst s4  }
0xd: {  	[smem:$0x3FAF] =	sst s5  }
0xe: {  	[smem:$0x3FB0] =	sst s6  }
0xf: {  	[smem:$0x3FB1] =	sst s7  }
0x10: {  	[smem:$0x3FB2] =	sst s8  }
0x11: {  	[smem:$0x3FB3] =	sst s9;
	s0 =	simm.s32 @!p0 $0x0  }
0x12: {  	s1 =	sld [smem:$0x3F99];
	s0 =	simm.s32 @p0 $0x1  }
0x13: {  	[smem:$0x3FB4] =	sst s0;
	s0 =	simm.s32 @!p1 $0x0  }
0x14: {  	s2 =	sld [smem:$0x3F98];
	s0 =	simm.s32 @p1 $0x1  }
0x15: {  	[smem:$0x3FB5] =	sst s0;
	s0 =	simm.s32 @!p2 $0x0  }
0x16: {  	s3 =	sld [smem:$0x3FDB];
	s0 =	simm.s32 @p2 $0x1  }
0x17: {  	s4 =	simm.s32 $0x1BF5;
	[smem:$0x3FB7] =	sst s0  }
0x18: {  	s0 =	sld [smem:$0x3F9A];
	_ =	swait.ge [sflag:s4], $0x0  }
0x19: {  	s7 =	sld [smem:$0x3F9B]  }
0x1a: {  	s8 =	sadd.s32 $0xFFFFE003, lr  }
0x1b: {  	s9 =	sadd.s32 $0xFFFFFEF7, lr;
	s5 =	simm.s32 $0xFFFFFFFF;
	p2 =	slt.u32 s8, $0xFFFFF086  }
0x1c: {  	p1 =	slt.u32 s9, $0xF7A;
	s5 =	simm.s32 @!p2 $0x0  }
0x1d: {  	s5 =	simm.s32 @p1 $0x1;
	p0 =	seq.s32 s7, s2  }
0x1e: {  	s7 =	smul.u32 @!p0 $0xF7A, s2;
	p2 =	seq.s32 @!p0 s5, $0x0  }
0x1f: {  	s9 =	smul.u32 $0xF7A, s1;
	s8 =	simm.s32 @!p0 $0x1BF5;
	p2 =	por !p2, p0  }
0x20: {  	[sflag:s8] =	ssyncset.s32 @!p0 $0xFFFFF086;
	s6 =	sadd.s32 @!p0 s3, s7;
	s7 =	simm.s32 @!p0 $0x108  }
0x21: {  	s3 =	sadd.s32 s3, s9;
	s6 =	sadd.s32 @!p0 $0x88, s6;
	s7 =	simm.s32 @p2 $0x1082  }
0x22: {  	[simem:s7], [sflag:s8] =	dma.local @!p0 [hbm:s6], $0xF7A  }
0x23: {  	s9 =	sor.u32 $0xD0000000, s2;
	s6 =	simm.s32 $0x108;
	_ =	swait.ge @!p0 [sflag:s8], $0x0  }
0x24: {  	s3 =	sadd.s32 $0x88, s3;
	s6 =	simm.s32 @!p1 $0x1082;
	[sflag:s4] =	ssyncset.s32 $0xFFFFF086  }
0x25: {  	[simem:s6], [sflag:s4] =	dma.local [hbm:s3], $0xF7A  }
0x26: {  	[smem:$0x3F9B] =	sst s1;
	(tag) =	ssettag s2;
	_ =	strace s9  }
0x27: {  	s1 =	sld [smem:$0x3FAB]  }
0x28: {  	s2 =	sld [smem:$0x3FAC]  }
0x29: {  	s4 =	sld [smem:$0x3FAE]  }
0x2a: {  	p0 =	seq.s32 s5, $0x0;
	s5 =	sld [smem:$0x3FAF]  }
0x2b: {  	s6 =	sld [smem:$0x3FB0]  }
0x2c: {  	s7 =	sld [smem:$0x3FB1]  }
0x2d: {  	s3 =	simm.s32 $0x108;
	s8 =	sld [smem:$0x3FB2]  }
0x2e: {  	s3 =	simm.s32 @!p0 $0x1082;
	s9 =	sld [smem:$0x3FB3]  }
0x2f: {  	lr =	sadd.s32 s0, s3;
	s0 =	sld [smem:$0x3FAA]  }
0x30: {  	s3 =	sld [smem:$0x3FAD]  }
0x31: {  	[smem:$0x3FB6] =	sst s10  }
0x32: {  	s10 =	sld [smem:$0x3FB4];
	_ =	sdelay $0x3  }
0x33: {  	p0 =	seq.s32 s10, $0x1;
	s10 =	sld [smem:$0x3FB6];
	_ =	sdelay $0x3  }
0x34: {  	[smem:$0x3FB6] =	sst s10  }
0x35: {  	s10 =	sld [smem:$0x3FB5];
	_ =	sdelay $0x3  }
0x36: {  	p1 =	seq.s32 s10, $0x1;
	s10 =	sld [smem:$0x3FB6];
	_ =	sdelay $0x3  }
0x37: {  	[smem:$0x3FB6] =	sst s10  }
0x38: {  	s10 =	sld [smem:$0x3FB7]  }
0x39: {  	_ = 	snop;
	(pc) =	sbr.ind lr, $3  }
0x3a: {  	_ = 	snop  }
0x3b: {  	_ = 	snop  }
0x3c: {  	p2 =	seq.s32 s10, $0x1;
	s10 =	sld [smem:$0x3FB6]  }
0x3d: {  	_ =	shalt  }
0x3e: {  	_ =	shalt  }
0x3f: {  	_ =	shalt  }
0x40: {  	_ =	shalt  }
0x41: {  	_ =	shalt  }
0x42: {  	_ =	shalt  }
0x43: {  	_ =	shalt  }
0x44: {  	_ =	shalt  }
0x45: {  	_ =	shalt  }
0x46: {  	_ =	shalt  }
0x47: {  	_ =	shalt  }
0x48: {  	_ =	shalt  }
0x49: {  	_ =	shalt  }
0x4a: {  	_ =	shalt  }
0x4b: {  	_ =	shalt  }
0x4c: {  	_ =	shalt  }
0x4d: {  	_ =	shalt  }
0x4e: {  	_ =	shalt  }
0x4f: {  	_ =	shalt  }
0x50: {  	_ =	shalt  }
0x51: {  	_ =	shalt  }
0x52: {  	_ =	shalt  }
0x53: {  	_ =	shalt  }
0x54: {  	_ =	shalt  }
0x55: {  	_ =	shalt  }
0x56: {  	_ =	shalt  }
0x57: {  	_ =	shalt  }
0x58: {  	_ =	shalt  }
0x59: {  	_ =	shalt  }
0x5a: {  	_ =	shalt  }
0x5b: {  	_ =	shalt  }
0x5c: {  	_ =	shalt  }
0x5d: {  	_ =	shalt  }
0x5e: {  	_ =	shalt  }
0x5f: {  	_ =	shalt  }
0x60: {  	_ =	shalt  }
0x61: {  	_ =	shalt  }
0x62: {  	_ =	shalt  }
0x63: {  	_ =	shalt  }
0x64: {  	_ =	shalt  }
0x65: {  	_ =	shalt  }
0x66: {  	_ =	shalt  }
0x67: {  	_ =	shalt  }
0x68: {  	_ =	shalt  }
0x69: {  	_ =	shalt  }
0x6a: {  	_ =	shalt  }
0x6b: {  	_ =	shalt  }
0x6c: {  	_ =	shalt  }
0x6d: {  	_ =	shalt  }
0x6e: {  	_ =	shalt  }
0x6f: {  	_ =	shalt  }
0x70: {  	_ =	shalt  }
0x71: {  	_ =	shalt  }
0x72: {  	_ =	shalt  }
0x73: {  	_ =	shalt  }
0x74: {  	_ =	shalt  }
0x75: {  	_ =	shalt  }
0x76: {  	_ =	shalt  }
0x77: {  	_ =	shalt  }
0x78: {  	_ =	shalt  }
0x79: {  	_ =	shalt  }
0x7a: {  	_ =	shalt  }
0x7b: {  	_ =	shalt  }
0x7c: {  	_ =	shalt  }
0x7d: {  	_ =	shalt  }
0x7e: {  	_ =	shalt  }
0x7f: {  	_ =	shalt  }
0x80: {  	_ =	shalt  }
0x81: {  	_ =	shalt  }
0x82: {  	_ =	shalt  }
0x83: {  	_ =	shalt  }
0x84: {  	_ =	shalt  }
0x85: {  	_ =	shalt  }
0x86: {  	_ =	shalt  }
0x87: {  	_ =	shalt  }
.Lfunc_end0:
.L_simem_size_0:
called_computation_lowered:
.L_overlay_start_0:
0x88: {  	s2 =	sld [smem:$0x3FD9]  }
0x89: {  	s3 =	sld [smem:$0x3FFE];
	_ =	sdelay $0x1  }
0x8a: {  	s1 =	srdreg.scid  }
0x8b: {  	s0 =	sand.u32 $0x1, s1  }
0x8c: {  	s16 =	sshll.u32 s0, $0xA;
	s2 =	sadd.s32 s3, s2  }
0x8d: {  	s2 =	sadd.s32 s2, s16  }
0x8e: {  	[smem:$0x3FC2] =	sst s2  }
0x8f: {  	_ = 	snop  }
0x90: {  	(tm) =	ssettm $0x1  }
0x91: {  	s17 =	sld [smem:$0x3FFB];
	_ =	sdelay $0x3  }
0x92: {  	_ =	strace s17  }
0x93: {  	s2 =	sld [smem:$0x3FFC];
	_ =	sdelay $0x3  }
0x94: {  	_ =	strace s2  }
0x95: {  	s2 =	sld [smem:$0x3FFD];
	_ =	sdelay $0x3  }
0x96: {  	_ =	strace s2  }
0x97: {  	_ =	strace $0x8FFFFFFF  }
0x98: {  	s18 =	sld [smem:$0x3FDB];
	_ =	sdelay $0x1  }
0x99: {  	s19 =	simm.s32 $_scs_section_size  }
0x9a: {  	s4 =	simm.s32 $_size__tile_overlayer_lowered;
	s5 =	simm.s32 $_tile_overlayer_lowered  }
0x9b: {  	s22 =	simm.s32 $0x1BFF;
	s21 =	sshll.u32 s5, $0x1;
	s2 =	sadd.s32 s19, s18  }
0x9c: {  	s6 =	simm.s32 $0x0;
	s20 =	sshll.u32 s4, $0x1;
	s4 =	sadd.s32 s21, s2  }
0x9d: {  	[timem:s6], [sflag:s22] =	dma.local [hbm:s4], s20  }
0x9e: {  	_ =	swait.ge [sflag:s22], s20  }
0x9f: {  	s3 =	ssub.s32 $0x0, s20;
	[sflag:s22] =	ssyncset.done $0x0  }
0xa0: {  	[sflag:s22] =	ssyncadd.s32 s3;
	_ =	sdelay $0x1  }
0xa1: {  	s23 =	simm.s32 $0x1B8B  }
0xa2: {  	_ =	swait.ge [sflag:s23], $0x1  }
0xa3: {  	[sflag:s23] =	ssyncset.done $0x0  }
0xa4: {  	s25 =	simm.s32 $0x1B8E;
	s24 =	sld [smem:$0x3FFE];
	[sflag:s23] =	ssyncadd.s32 $0xFFFFFFFF  }
0xa5: {  	s26 =	simm.s32 $execute0_lowered;
	[smem:$0x3FD2] =	sst s25  }
0xa6: {  	s4 =	sshll.u32 s26, $0x1;
	_ =	strace $0x80000046;
	[dreg:$0x1] =	wrdreg $0xFFFFFFFF  }
0xa7: {  	s28 =	simm.s32 $_size_execute0_lowered;
	s2 =	sadd.s32 s2, s4;
	[dreg:$0x0] =	wrdreg $0x0  }
0xa8: {  	s4 =	sshll.u32 s28, $0x1;
	[dreg:$0x2] =	wrdreg s2  }
0xa9: {  	[dreg:$0x3] =	wrdreg s4  }
0xaa: {  	[dreg:$0x4] =	wrdreg $0xC0  }
0xab: {  	_ =	task [dreg:s6], $0x5FFFF  }
0xac: {  	[dreg:$0x1] =	wrdreg $0xFFFFFFFF  }
0xad: {  	[dreg:$0x0] =	wrdreg $0x60  }
0xae: {  	[dreg:$0x2] =	wrdreg s24  }
0xaf: {  	[dreg:$0x3] =	wrdreg $0x9  }
0xb0: {  	_ =	task.clear_ibuf [dreg:s6], $0x4FFFF;
	_ =	strace $0x90000046  }
0xb1: {  	s29 =	simm.s32 $0x9;
	_ =	strace $0x80000048  }
0xb2: {  	_ =	swait.ge [sflag:s29], $0x1  }
0xb3: {  	[sflag:s29] =	ssyncadd.s32 $0xFFFFFFFF  }
0xb4: {  	_ =	strace $0x90000048  }
0xb5: {  	_ =	sfence  }
0xb6: {  	s30 =	sld [smem:$0x0];
	_ =	sdelay $0x2  }
0xb7: {  	s31 =	sshll.u32 s1, $0xD;
	s1 =	sshrl.u32 s1, $0x2  }
0xb8: {  	s3 =	sand.u32 $0x4000, s31;
	s1 =	sadd.s32 s1, s30  }
0xb9: {  	s0 =	sor.u32 s3, s0;
	s1 =	sshll.u32 s1, $0x11  }
0xba: {  	s0 =	sor.u32 s1, s0  }
0xbb: {  	s0 =	sadd.s32 $0x8F2B, s0  }
0xbc: {  	[sflag:s0] =	ssyncadd.remote.s32 $0x1  }
0xbd: {  	_ =	sfence.sel $0xFFFF  }
0xbe: {  	[dreg:$0x0] =	wrdreg $0xFFFFFFFF;
	(pc) =	sbr.abs _section_cstart, $3  }
0xbf: {  	[dreg:$0x1] =	wrdreg $0xFFFFFFFF  }
0xc0: {  	_ =	task.clear_ibuf [dreg:s6], $0x2FFFF;
	_ =	strace $0x9FFFFFFF  }
0xc1: {  	(tm) =	ssettm $0x7FFFFFFF  }
tec
execute0_lowered:
.L_overlay_start_1:
0x0: {  	(tag) =	ssettag $0x1  }
0x1: {  	s4 =	rddreg [dreg:$0x0]  }
0x2: {  	s0 =	rddreg [dreg:$0x1];
	s3 =	srdreg.scid  }
0x3: {  	s2 =	simm.s32 $0x0;
	s1 =	stileid.u32;
	s10 =	simm.s32 $0x2000  }
0x4: {  	s11 =	simm.s32 $0x80;
	s12 =	simm.s32 $0x4000;
	s13 =	simm.s32 $0x8000  }
0x5: {  	s14 =	simm.s32 $0x1;
	s15 =	simm.s32 $0x2;
	s16 =	simm.s32 $0x0  }
0x6: {  	s5 =	sand.u32 $0x1, s3;
	[smem:$0x7FF] =	sst s2;
	s6 =	sshll.u32 s1, $0xB  }
0x7: {  	s3 =	sadd.s32 $0xF43600, s4;
	s30 =	sshll.u32 s1, $0x12;
	s7 =	sshll.u32 s5, $0xA  }
0x8: {  	_ =	strace $0x80000047;
	s8 =	ssub.s32 $0x2, s5;
	s5 =	sshll.u32 s5, $0x11  }
0x9: {  	s6 =	sor.u32 s7, s6;
	s7 =	sadd.s32 s30, s4;
	s31 =	sshrl.u32 s8, $0x1  }
0xa: {  	s6 =	sadd.s32 s6, s4;
	s8 =	ssub.s32 s8, s31;
	s9 =	sadd.s32 s5, s7  }
0xb: {  	s4 =	sadd.s32 $0x1200, s6;
	s5 =	sadd.s32 $0x9200, s6;
	s6 =	smax.u32 s8, $0x1  }
0xc: {  	s7 =	sadd.s32 $0x411200, s9;
	s8 =	sadd.s32 $0x11200, s9;
	s9 =	simm.s32 $0x3  }
.LBB2_1:
0xd: {  	[tilespmem:s2], [sflag:$0x3] =	stream.linear.gather [hbm4b:s4+s2], $0x2000, $0x38;
	[tilespmem:$0xC000] =	vst v63  }
0xe: {  	_ =	swait.ge [sflag:s9], $0x2000  }
0xf: {  	[sflag:s9] =	ssyncset.done $0x0  }
0x10: {  	[sflag:s9] =	ssyncadd.s32 $0xFFFFE000  }
0x11: {  	[tilespmem:s10], [sflag:$0x3] =	stream.linear.gather [hbm4b:s5+s2], $0x2000, $0x38;
	[tilespmem:$0xC000] =	vst v63  }
0x12: {  	_ =	swait.ge [sflag:s9], $0x2000  }
0x13: {  	[sflag:s9] =	ssyncset.done $0x0  }
0x14: {  	s17 =	simm.s32 $0x0;
	[sflag:s9] =	ssyncadd.s32 $0xFFFFE000  }
0x15: {  	[tilespmem:s12], [sflag:$0x1] =	stream.indirect.gather [hbm4b:s3+s11], $0x80, s17, s11, $0xb8;
	[tilespmem:$0xC000] =	vst v63  }
0x16: {  	s31 =	simm.s32 $0x2000  }
0x17: {  	[tilespmem:s13], [sflag:$0x2] =	stream.indirect.gather [hbm4b:s3+s11], $0x80, s31, s11, $0xb8;
	[tilespmem:$0xC000] =	vst v63  }
0x18: {  	_ =	swait.ge [sflag:s14], $0x4000  }
0x19: {  	[sflag:s14] =	ssyncset.done $0x0  }
0x1a: {  	[sflag:s14] =	ssyncadd.s32 $0xFFFFC000  }
0x1b: {  	_ =	swait.ge [sflag:s15], $0x4000  }
0x1c: {  	[sflag:s15] =	ssyncset.done $0x0  }
0x1d: {  	[sflag:s15] =	ssyncadd.s32 $0xFFFFC000  }
0x1e: {  	[hbm4b:s8+s2] =	stream.linear.scatter [tilespmem:s12], [sflag:$0x1], $0x4000, $0x38;
	[tilespmem:$0xC000] =	vst v63  }
0x1f: {  	_ = 	snop  }
0x20: {  	[hbm4b:s7+s2] =	stream.linear.scatter [tilespmem:s13], [sflag:$0x2], $0x4000, $0x38;
	[tilespmem:$0xC000] =	vst v63  }
0x21: {  	_ =	swait.ge [sflag:s14], $0x4000  }
0x22: {  	[sflag:s14] =	ssyncset.done $0x0  }
0x23: {  	[sflag:s14] =	ssyncadd.s32 $0xFFFFC000  }
0x24: {  	s19 =	simm.s32 $0x200;
	s20 =	simm.s32 $0x400;
	_ =	swait.ge [sflag:s15], $0x4000  }
0x25: {  	s18 =	sadd.s32 $0x800, s8;
	s17 =	sadd.s32 $0x800, s7;
	[sflag:s15] =	ssyncset.done $0x0  }
.LBB2_2:
0x26: {  	s21 =	sshra.s32 s19, $0x2  }
0x27: {  	[sflag:s15] =	ssyncadd.s32 $0xFFFFC000;
	s19 =	smov.u32 s20;
	s22 =	sadd.s32 $0x200, s20  }
0x28: {  	[tilespmem:s12], [sflag:$0x1] =	stream.indirect.gather [hbm4b:s3+s11], $0x80, s21, s11, $0xb8;
	[tilespmem:$0xC000] =	vst v63  }
0x29: {  	p0 =	sne.s32 s20, $0x7E00;
	s20 =	sadd.s32 $0x2000, s21  }
0x2a: {  	[tilespmem:s13], [sflag:$0x2] =	stream.indirect.gather [hbm4b:s3+s11], $0x80, s20, s11, $0xb8;
	[tilespmem:$0xC000] =	vst v63  }
0x2b: {  	_ =	swait.ge [sflag:s14], $0x4000  }
0x2c: {  	[sflag:s14] =	ssyncset.done $0x0  }
0x2d: {  	[sflag:s14] =	ssyncadd.s32 $0xFFFFC000  }
0x2e: {  	_ =	swait.ge [sflag:s15], $0x4000  }
0x2f: {  	[sflag:s15] =	ssyncset.done $0x0  }
0x30: {  	[sflag:s15] =	ssyncadd.s32 $0xFFFFC000  }
0x31: {  	[hbm4b:s18+s2] =	stream.linear.scatter [tilespmem:s12], [sflag:$0x1], $0x4000, $0x38;
	[tilespmem:$0xC000] =	vst v63  }
0x32: {  	_ = 	snop  }
0x33: {  	[hbm4b:s17+s2] =	stream.linear.scatter [tilespmem:s13], [sflag:$0x2], $0x4000, $0x38;
	[tilespmem:$0xC000] =	vst v63  }
.Ltmp0:
0x34: {  	_ =	swait.ge [sflag:s14], $0x4000;
	(pc) =	sbr.rel @p0 .LBB2_2-.Ltmp0, $4  }
0x35: {  	[sflag:s14] =	ssyncset.done $0x0  }
0x36: {  	[sflag:s14] =	ssyncadd.s32 $0xFFFFC000  }
0x37: {  	s20 =	smov.u32 s22;
	_ =	swait.ge [sflag:s15], $0x4000  }
0x38: {  	s18 =	sadd.s32 $0x800, s18;
	s17 =	sadd.s32 $0x800, s17;
	[sflag:s15] =	ssyncset.done $0x0  }
0x39: {  	s19 =	sshra.s32 s19, $0x2;
	[sflag:s15] =	ssyncadd.s32 $0xFFFFC000  }
0x3a: {  	[tilespmem:s12], [sflag:$0x1] =	stream.indirect.gather [hbm4b:s3+s11], $0x80, s19, s11, $0xb8;
	[tilespmem:$0xC000] =	vst v63  }
0x3b: {  	s19 =	sadd.s32 $0x2000, s19  }
0x3c: {  	[tilespmem:s13], [sflag:$0x2] =	stream.indirect.gather [hbm4b:s3+s11], $0x80, s19, s11, $0xb8;
	[tilespmem:$0xC000] =	vst v63  }
0x3d: {  	_ =	swait.ge [sflag:s14], $0x4000  }
0x3e: {  	[sflag:s14] =	ssyncset.done $0x0  }
0x3f: {  	[sflag:s14] =	ssyncadd.s32 $0xFFFFC000  }
0x40: {  	_ =	swait.ge [sflag:s15], $0x4000  }
0x41: {  	[sflag:s15] =	ssyncset.done $0x0  }
0x42: {  	[sflag:s15] =	ssyncadd.s32 $0xFFFFC000  }
0x43: {  	[hbm4b:s18+s2] =	stream.linear.scatter [tilespmem:s12], [sflag:$0x1], $0x4000, $0x38;
	[tilespmem:$0xC000] =	vst v63  }
0x44: {  	s16 =	sadd.s32 $0x1, s16  }
0x45: {  	[hbm4b:s17+s2] =	stream.linear.scatter [tilespmem:s13], [sflag:$0x2], $0x4000, $0x38;
	[tilespmem:$0xC000] =	vst v63  }
0x46: {  	p0 =	sne.s32 s16, s6;
	_ =	swait.ge [sflag:s14], $0x4000  }
.Ltmp1:
0x47: {  	[sflag:s14] =	ssyncset.done $0x0;
	(pc) =	sbr.rel @p0 .LBB2_1-.Ltmp1, $4  }
0x48: {  	[sflag:s14] =	ssyncadd.s32 $0xFFFFC000  }
0x49: {  	_ =	swait.ge [sflag:s15], $0x4000  }
0x4a: {  	[sflag:s15] =	ssyncset.done $0x0  }
0x4b: {  	[sflag:s15] =	ssyncadd.s32 $0xFFFFC000  }
0x4c: {  	_ =	sfence.sel $0x180000  }
0x4d: {  	[bflag:$0x0] =	sbarrier.arrive $0xFFFF  }
0x4e: {  	p0 =	sne.s32 s1, $0x0;
	_ =	strace $0x90000047  }
0x4f: {  	s0 =	sadd.s32 @!p0 $0x100000, s0;
	[bflag:$0x2] =	sbarrier.arrive $0xFFFF  }
0x50: {  	[sflag:s0] =	ssyncadd.tile.s32 @!p0 $0x1;
	_ =	shalt  }
.Lfunc_end2:
_tile_overlayer_lowered:
.L_overlay_start_2:
0x51: {  	(tag) =	ssettag $0x2  }
0x52: {  	s0 =	rddreg [dreg:$0x0];
	s2 =	stileid.u32  }
0x53: {  	s1 =	rddreg [dreg:$0x1];
	p0 =	sne.s32 s2, $0x0  }
0x54: {  	s3 =	rddreg [dreg:$0x2];
	[bflag:$0x3] =	sbarrier.arrive $0xFFFF;
	s2 =	simm.s32 @!p0 $0x1C03  }
0x55: {  	[timem:s3], [sflag:s2] =	dma.local @!p0 [hbm:s0], s1  }
0x56: {  	s0 =	simm.s32 @!p0 $0x3  }
0x57: {  	_ =	swait.ge @!p0 [sflag:s0], s1  }
0x58: {  	s1 =	ssub.s32 @!p0 $0x0, s1;
	[sflag:s0] =	ssyncset.done @!p0 $0x0  }
0x59: {  	[sflag:s0] =	ssyncadd.s32 @!p0 s1  }
0x5a: {  	[bflag:$0x3] =	sbarrier.arrive $0xFFFF  }
0x5b: {  	_ =	shalt  }

</sc_bundles>
